<compile_context>
chip_gen: v7x
topology: tpu7x:2x2x1
jax: 0.10.2.dev20260603
libtpu: 0.0.44.dev20260713+nightly
codegen_flags: <defaults>
</compile_context>

<pallas_src>
import jax
import jax.numpy as jnp
from jax import lax
from jax.experimental import pallas as pl
from jax.experimental.pallas import tpu as pltpu
from jax.experimental.pallas import tpu_sc as plsc

_NC = 2
_NS = 16
_NW = _NC * _NS

_UNTILED = pltpu.CompilerParams(use_tc_tiling_on_sc=False,
                                needs_layout_passes=False)


def _mesh():
    return plsc.VectorSubcoreMesh(core_axis_name="c", subcore_axis_name="s",
                                  num_cores=_NC)


def _wid():
    return lax.axis_index("s") * _NC + lax.axis_index("c")


def _sc_gather_body(tab_hbm, idx_hbm, out_hbm, idx_v, w_v, sem):
    w = _wid()
    pltpu.sync_copy(idx_hbm.at[w], idx_v)
    pltpu.async_copy(tab_hbm.at[idx_v], w_v, sem).wait()
    pltpu.sync_copy(w_v, out_hbm.at[w])


def _sc_gather(table_flat, idxf):
    n = idxf.shape[0]
    per_w = n // _NW
    k = pl.kernel(
        _sc_gather_body,
        out_type=jax.ShapeDtypeStruct((_NW, per_w), jnp.float32),
        mesh=_mesh(),
        scratch_types=[
            pltpu.VMEM((per_w,), jnp.int32),
            pltpu.VMEM((per_w,), jnp.float32),
            pltpu.SemaphoreType.DMA,
        ],
        compiler_params=_UNTILED,
    )
    return k(table_flat, idxf.reshape(_NW, per_w))


def _dense_body(g_ref, wa_ref, ba_ref, wp_ref, wo_ref, bo_ref, o_ref):
    e = g_ref[...]
    wa = wa_ref[...]
    ba = ba_ref[...]
    wp = wp_ref[...]
    wo = wo_ref[...]
    scores = []
    qs = []
    for (i, j) in ((0, 1), (0, 2), (1, 2)):
        p = e[:, 3 * i:3 * i + 3] * e[:, 3 * j:3 * j + 3]
        h = (p[:, 0:1] * wa[0:1, :] + p[:, 1:2] * wa[1:2, :]
             + p[:, 2:3] * wa[2:3, :] + ba)
        h = jnp.maximum(h, 0.0)
        scores.append(jnp.sum(h * wp, axis=1, keepdims=True))
        qs.append(jnp.sum(p * wo, axis=1, keepdims=True))
    m = jnp.maximum(jnp.maximum(scores[0], scores[1]), scores[2])
    es = [jnp.exp(s - m) for s in scores]
    z = es[0] + es[1] + es[2]
    o_ref[...] = (es[0] * qs[0] + es[1] * qs[1] + es[2] * qs[2]) / z \
        + bo_ref[0, 0]


def _tc_dense(g, W_attn, b_attn, W_proj, W_out, b_out):
    b = g.shape[0]
    s = 2048
    rep = lambda i: (0, 0)
    return pl.pallas_call(
        _dense_body,
        grid=(b // s,),
        in_specs=[
            pl.BlockSpec((s, 9), lambda i: (i, 0)),
            pl.BlockSpec((3, 64), rep),
            pl.BlockSpec((1, 64), rep),
            pl.BlockSpec((1, 64), rep),
            pl.BlockSpec((1, 3), rep),
            pl.BlockSpec((1, 1), rep),
        ],
        out_specs=pl.BlockSpec((s, 1), lambda i: (i, 0)),
        out_shape=jax.ShapeDtypeStruct((b, 1), jnp.float32),
    )(g, W_attn, b_attn.reshape(1, -1), W_proj.reshape(1, -1),
      W_out.reshape(1, -1), b_out.reshape(1, 1))


def kernel(inputs, table, W_attn, b_attn, W_proj, W_out, b_out):
    bsz = inputs.shape[0]
    idx = inputs.astype(jnp.int32).reshape(-1)
    v = table.shape[0]
    idxf = (jnp.arange(3, dtype=jnp.int32)[None, :] * v
            + idx[:, None]).reshape(-1)
    tabf = table.T.reshape(-1)
    words = _sc_gather(tabf, idxf)
    g = words.reshape(bsz, 9)
    return _tc_dense(g, W_attn, b_attn, W_proj, W_out, b_out)

# --- scband reference (transcript-rebuilt; emitter-appended) ---
"""Pipeline reference for scband-afm-10522669875525 (READ-ONLY COPY).

The authoritative reference and input builder live on the scoring server;
editing this copy changes nothing except your own understanding.
"""

import jax, jax.numpy as jnp
import numpy as np

VOCAB = 1000000
EMB = 3
ATTN = 64
B = 16384
FIELDS = 3


def setup_inputs(seed: int = 0) -> dict:
    key = jax.random.key(seed)
    ks = jax.random.split(key, 8)
    inputs = jax.random.randint(ks[0], (B, FIELDS), 0, VOCAB)
    table = jax.random.normal(ks[1], (VOCAB, EMB), dtype=jnp.float32) * 0.05
    W_attn = jax.random.normal(ks[2], (3, ATTN), dtype=jnp.float32) * 0.1
    b_attn = jnp.zeros((ATTN,), dtype=jnp.float32)
    W_proj = jax.random.normal(ks[3], (ATTN, 1), dtype=jnp.float32) * 0.1
    W_out = jax.random.normal(ks[4], (EMB, 1), dtype=jnp.float32) * 0.1
    b_out = jnp.zeros((1,), dtype=jnp.float32)
    return {"inputs": inputs, "table": table, "W_attn": W_attn, "b_attn": b_attn,
            "W_proj": W_proj, "W_out": W_out, "b_out": b_out}


def reference(inputs, table, W_attn, b_attn, W_proj, W_out, b_out):
    # order-2 embedding lookup: [B, 3, EMB]
    order2_embeddings = jnp.take(table, inputs, axis=0)
    # pairwise element-wise products over the 3 fields: (0,1), (0,2), (1,2)
    element_wise_product_list = []
    for i in range(3):
        for j in range(i + 1, 3):
            element_wise_product_list.append(order2_embeddings[:, i, :] * order2_embeddings[:, j, :])
    element_wise_product_embeddings = jnp.stack(element_wise_product_list, axis=1)  # [B, 3, EMB]
    # faithful to the module: reshape(-1, 3) before the attention Dense
    attn_in = element_wise_product_embeddings.reshape(-1, 3)  # [B*EMB, 3]
    attn_hidden = jax.nn.relu(attn_in @ W_attn + b_attn)      # [B*EMB, ATTN]
    attn_scores = (attn_hidden @ W_proj).reshape(-1, 3)        # [B, 3] (since EMB == 3)
    attn_scores = jax.nn.softmax(attn_scores, axis=-1)
    weighted = attn_scores[:, :, None] * element_wise_product_embeddings  # [B, 3, EMB]
    order2_output_logit = jnp.sum(weighted, axis=1) @ W_out + b_out       # [B, 1]
    return order2_output_logit

if __name__ == "__main__":
    import jax
    _d = setup_inputs()
    print(jax.jit(kernel)(*tuple(_d.values())))

</pallas_src>

<mosaic_0001>
#map = affine_map<(d0, d1) -> (0)>
#map1 = affine_map<(d0, d1) -> (0, 0)>
module attributes {stable_mosaic.version = 14 : i64} {
  func.func @_sc_gather_body(%arg0: i32, %arg1: i32, %arg2: memref<3000000xf32, #tpu.memory_space<hbm>>, %arg3: memref<32x4608xi32, #tpu.memory_space<hbm>>, %arg4: memref<32x4608xf32, #tpu.memory_space<hbm>>, %arg5: memref<4608xi32, #tpu.memory_space<vmem>>, %arg6: memref<4608xf32, #tpu.memory_space<vmem>>, %arg7: memref<!tpu.dma_semaphore, #tpu.memory_space<semaphore_mem>>) attributes {dimension_semantics = [#tpu.dimension_semantics<core_parallel>, #tpu.dimension_semantics<subcore_parallel>], iteration_bounds = array<i64: 2, 16>, scalar_prefetch = 0 : i64, scratch_operands = 3 : i64, tpu.core_type = #tpu.core_type<sc_vector_subcore>, window_params = [{transform_indices = #map}, {transform_indices = #map1}, {transform_indices = #map1}]} {
    %mul3A = arith.constant 2 : i32
    %mul3A_0 = arith.muli %arg1, %mul3A : i32
    %add3A = arith.addi %mul3A_0, %arg0 : i32
    "tpu.region"() ({
      %run_scoped3A = tpu.sem_alloc : memref<!tpu.dma_semaphore, #tpu.memory_space<semaphore_mem>>
      %dma_start3A_3 = arith.constant 0 : i32
      %dma_start3A_4 = tpu.memref_slice %arg3[%add3A, %dma_start3A_3] : memref<32x4608xi32, #tpu.memory_space<hbm>> -> memref<1x4608xi32, #tpu.memory_space<hbm>>
      %dma_start3A_5 = tpu.memref_squeeze %dma_start3A_4 : memref<1x4608xi32, #tpu.memory_space<hbm>> -> memref<4608xi32, #tpu.memory_space<hbm>>
      %dma_start3A_6 = arith.constant 0 : i32
      %dma_start3A_7 = tpu.memref_slice %arg3[%add3A, %dma_start3A_6] : memref<32x4608xi32, #tpu.memory_space<hbm>> -> memref<1x4608xi32, #tpu.memory_space<hbm>>
      %dma_start3A_8 = tpu.memref_squeeze %dma_start3A_7 : memref<1x4608xi32, #tpu.memory_space<hbm>> -> memref<4608xi32, #tpu.memory_space<hbm>>
      tpu.enqueue_dma source(%dma_start3A_8 : memref<4608xi32, #tpu.memory_space<hbm>>) target(%arg5 : memref<4608xi32, #tpu.memory_space<vmem>>) target_semaphore(%run_scoped3A : memref<!tpu.dma_semaphore, #tpu.memory_space<semaphore_mem>>)
      %dma_wait3A_9 = arith.constant 0 : i32
      %dma_wait3A_10 = tpu.memref_slice %arg3[%add3A, %dma_wait3A_9] : memref<32x4608xi32, #tpu.memory_space<hbm>> -> memref<1x4608xi32, #tpu.memory_space<hbm>>
      %dma_wait3A_11 = tpu.memref_squeeze %dma_wait3A_10 : memref<1x4608xi32, #tpu.memory_space<hbm>> -> memref<4608xi32, #tpu.memory_space<hbm>>
      %dma_wait3A_12 = arith.constant 0 : i32
      %dma_wait3A_13 = tpu.memref_slice %arg3[%add3A, %dma_wait3A_12] : memref<32x4608xi32, #tpu.memory_space<hbm>> -> memref<1x4608xi32, #tpu.memory_space<hbm>>
      %dma_wait3A_14 = tpu.memref_squeeze %dma_wait3A_13 : memref<1x4608xi32, #tpu.memory_space<hbm>> -> memref<4608xi32, #tpu.memory_space<hbm>>
      tpu.wait_dma2 semaphore(%run_scoped3A : memref<!tpu.dma_semaphore, #tpu.memory_space<semaphore_mem>>) src(%dma_wait3A_14 : memref<4608xi32, #tpu.memory_space<hbm>>) dst(%arg5 : memref<4608xi32, #tpu.memory_space<vmem>>)
      tpu.yield
    }) : () -> ()
    %dma_start3A = arith.constant 0 : i32
    %dma_start3A_1 = tpu.memref_slice %arg2[%dma_start3A] : memref<3000000xf32, #tpu.memory_space<hbm>> -> memref<3000000xf32, #tpu.memory_space<hbm>>
    tpu.enqueue_indirect_dma source(%dma_start3A_1 : memref<3000000xf32, #tpu.memory_space<hbm>>) target(%arg6 : memref<4608xf32, #tpu.memory_space<vmem>>) offsets(%arg5 : memref<4608xi32, #tpu.memory_space<vmem>>) semaphore(%arg7 : memref<!tpu.dma_semaphore, #tpu.memory_space<semaphore_mem>>)
    %dma_wait3A = arith.constant 0 : i32
    %dma_wait3A_2 = tpu.memref_slice %arg2[%dma_wait3A] : memref<3000000xf32, #tpu.memory_space<hbm>> -> memref<3000000xf32, #tpu.memory_space<hbm>>
    tpu.wait_indirect_dma semaphore(%arg7 : memref<!tpu.dma_semaphore, #tpu.memory_space<semaphore_mem>>) src(%dma_wait3A_2 : memref<3000000xf32, #tpu.memory_space<hbm>>) dst(%arg6 : memref<4608xf32, #tpu.memory_space<vmem>>)
    "tpu.region"() ({
      %run_scoped3A = tpu.sem_alloc : memref<!tpu.dma_semaphore, #tpu.memory_space<semaphore_mem>>
      %dma_start3A_3 = arith.constant 0 : i32
      %dma_start3A_4 = tpu.memref_slice %arg4[%add3A, %dma_start3A_3] : memref<32x4608xf32, #tpu.memory_space<hbm>> -> memref<1x4608xf32, #tpu.memory_space<hbm>>
      %dma_start3A_5 = tpu.memref_squeeze %dma_start3A_4 : memref<1x4608xf32, #tpu.memory_space<hbm>> -> memref<4608xf32, #tpu.memory_space<hbm>>
      %dma_start3A_6 = arith.constant 0 : i32
      %dma_start3A_7 = tpu.memref_slice %arg4[%add3A, %dma_start3A_6] : memref<32x4608xf32, #tpu.memory_space<hbm>> -> memref<1x4608xf32, #tpu.memory_space<hbm>>
      %dma_start3A_8 = tpu.memref_squeeze %dma_start3A_7 : memref<1x4608xf32, #tpu.memory_space<hbm>> -> memref<4608xf32, #tpu.memory_space<hbm>>
      tpu.enqueue_dma source(%arg6 : memref<4608xf32, #tpu.memory_space<vmem>>) target(%dma_start3A_8 : memref<4608xf32, #tpu.memory_space<hbm>>) target_semaphore(%run_scoped3A : memref<!tpu.dma_semaphore, #tpu.memory_space<semaphore_mem>>)
      %dma_wait3A_9 = arith.constant 0 : i32
      %dma_wait3A_10 = tpu.memref_slice %arg4[%add3A, %dma_wait3A_9] : memref<32x4608xf32, #tpu.memory_space<hbm>> -> memref<1x4608xf32, #tpu.memory_space<hbm>>
      %dma_wait3A_11 = tpu.memref_squeeze %dma_wait3A_10 : memref<1x4608xf32, #tpu.memory_space<hbm>> -> memref<4608xf32, #tpu.memory_space<hbm>>
      %dma_wait3A_12 = arith.constant 0 : i32
      %dma_wait3A_13 = tpu.memref_slice %arg4[%add3A, %dma_wait3A_12] : memref<32x4608xf32, #tpu.memory_space<hbm>> -> memref<1x4608xf32, #tpu.memory_space<hbm>>
      %dma_wait3A_14 = tpu.memref_squeeze %dma_wait3A_13 : memref<1x4608xf32, #tpu.memory_space<hbm>> -> memref<4608xf32, #tpu.memory_space<hbm>>
      tpu.wait_dma2 semaphore(%run_scoped3A : memref<!tpu.dma_semaphore, #tpu.memory_space<semaphore_mem>>) src(%arg6 : memref<4608xf32, #tpu.memory_space<vmem>>) dst(%dma_wait3A_14 : memref<4608xf32, #tpu.memory_space<hbm>>)
      tpu.yield
    }) : () -> ()
    return
  }
}

module attributes {stable_mosaic.version = 14 : i64} {
  func.func @_dense_body(%arg0: i32, %arg1: memref<2048x9xf32, #tpu.memory_space<vmem>>, %arg2: memref<3x64xf32, #tpu.memory_space<vmem>>, %arg3: memref<1x64xf32, #tpu.memory_space<vmem>>, %arg4: memref<1x64xf32, #tpu.memory_space<vmem>>, %arg5: memref<1x3xf32, #tpu.memory_space<vmem>>, %arg6: memref<1x1xf32, #tpu.memory_space<vmem>>, %arg7: memref<2048x1xf32, #tpu.memory_space<vmem>>) attributes {dimension_semantics = [#tpu.dimension_semantics<arbitrary>], iteration_bounds = array<i64: 8>, scalar_prefetch = 0 : i64, scratch_operands = 0 : i64, tpu.core_type = #tpu.core_type<tc>, window_params = [{transform_indices = @transform_0, window_bounds = array<i64: 2048, 9>}, {pipeline_mode = #tpu.pipeline_mode<synchronous>, transform_indices = @transform_1, window_bounds = array<i64: 3, 64>}, {pipeline_mode = #tpu.pipeline_mode<synchronous>, transform_indices = @transform_2, window_bounds = array<i64: 1, 64>}, {pipeline_mode = #tpu.pipeline_mode<synchronous>, transform_indices = @transform_3, window_bounds = array<i64: 1, 64>}, {pipeline_mode = #tpu.pipeline_mode<synchronous>, transform_indices = @transform_4, window_bounds = array<i64: 1, 3>}, {pipeline_mode = #tpu.pipeline_mode<synchronous>, transform_indices = @transform_5, window_bounds = array<i64: 1, 1>}, {transform_indices = @transform_6, window_bounds = array<i64: 2048, 1>}]} {
    %get3A = arith.constant 0 : index
    %get3A_0 = arith.constant 0 : index
    %get3A_1 = vector.load %arg1[%get3A, %get3A_0] : memref<2048x9xf32, #tpu.memory_space<vmem>>, vector<2048x9xf32>
    %get3A_2 = arith.constant 0 : index
    %get3A_3 = arith.constant 0 : index
    %get3A_4 = vector.load %arg2[%get3A_2, %get3A_3] : memref<3x64xf32, #tpu.memory_space<vmem>>, vector<3x64xf32>
    %get3A_5 = arith.constant 0 : index
    %get3A_6 = arith.constant 0 : index
    %get3A_7 = vector.load %arg3[%get3A_5, %get3A_6] : memref<1x64xf32, #tpu.memory_space<vmem>>, vector<1x64xf32>
    %get3A_8 = arith.constant 0 : index
    %get3A_9 = arith.constant 0 : index
    %get3A_10 = vector.load %arg4[%get3A_8, %get3A_9] : memref<1x64xf32, #tpu.memory_space<vmem>>, vector<1x64xf32>
    %get3A_11 = arith.constant 0 : index
    %get3A_12 = arith.constant 0 : index
    %get3A_13 = vector.load %arg5[%get3A_11, %get3A_12] : memref<1x3xf32, #tpu.memory_space<vmem>>, vector<1x3xf32>
    %slice3A = vector.extract_strided_slice %get3A_1 {offsets = [0, 0], sizes = [2048, 3], strides = [1, 1]} : vector<2048x9xf32> to vector<2048x3xf32>
    %slice3A_14 = vector.extract_strided_slice %get3A_1 {offsets = [0, 3], sizes = [2048, 3], strides = [1, 1]} : vector<2048x9xf32> to vector<2048x3xf32>
    %mul3A = arith.mulf %slice3A, %slice3A_14 : vector<2048x3xf32>
    %slice3A_15 = vector.extract_strided_slice %mul3A {offsets = [0, 0], sizes = [2048, 1], strides = [1, 1]} : vector<2048x3xf32> to vector<2048x1xf32>
    %slice3A_16 = vector.extract_strided_slice %get3A_4 {offsets = [0, 0], sizes = [1, 64], strides = [1, 1]} : vector<3x64xf32> to vector<1x64xf32>
    %mul3A_17 = vector.broadcast %slice3A_15 : vector<2048x1xf32> to vector<2048x64xf32>
    %mul3A_18 = vector.broadcast %slice3A_16 : vector<1x64xf32> to vector<2048x64xf32>
    %mul3A_19 = arith.mulf %mul3A_17, %mul3A_18 : vector<2048x64xf32>
    %slice3A_20 = vector.extract_strided_slice %mul3A {offsets = [0, 1], sizes = [2048, 1], strides = [1, 1]} : vector<2048x3xf32> to vector<2048x1xf32>
    %slice3A_21 = vector.extract_strided_slice %get3A_4 {offsets = [1, 0], sizes = [1, 64], strides = [1, 1]} : vector<3x64xf32> to vector<1x64xf32>
    %mul3A_22 = vector.broadcast %slice3A_20 : vector<2048x1xf32> to vector<2048x64xf32>
    %mul3A_23 = vector.broadcast %slice3A_21 : vector<1x64xf32> to vector<2048x64xf32>
    %mul3A_24 = arith.mulf %mul3A_22, %mul3A_23 : vector<2048x64xf32>
    %add3A = arith.addf %mul3A_19, %mul3A_24 : vector<2048x64xf32>
    %slice3A_25 = vector.extract_strided_slice %mul3A {offsets = [0, 2], sizes = [2048, 1], strides = [1, 1]} : vector<2048x3xf32> to vector<2048x1xf32>
    %slice3A_26 = vector.extract_strided_slice %get3A_4 {offsets = [2, 0], sizes = [1, 64], strides = [1, 1]} : vector<3x64xf32> to vector<1x64xf32>
    %mul3A_27 = vector.broadcast %slice3A_25 : vector<2048x1xf32> to vector<2048x64xf32>
    %mul3A_28 = vector.broadcast %slice3A_26 : vector<1x64xf32> to vector<2048x64xf32>
    %mul3A_29 = arith.mulf %mul3A_27, %mul3A_28 : vector<2048x64xf32>
    %add3A_30 = arith.addf %add3A, %mul3A_29 : vector<2048x64xf32>
    %add3A_31 = vector.broadcast %get3A_7 : vector<1x64xf32> to vector<2048x64xf32>
    %add3A_32 = arith.addf %add3A_30, %add3A_31 : vector<2048x64xf32>
    %max3A = arith.constant 0.000000e+00 : f32
    %max3A_33 = vector.broadcast %max3A : f32 to vector<2048x64xf32>
    %max3A_34 = arith.maximumf %add3A_32, %max3A_33 : vector<2048x64xf32>
    %mul3A_35 = vector.broadcast %get3A_10 : vector<1x64xf32> to vector<2048x64xf32>
    %mul3A_36 = arith.mulf %max3A_34, %mul3A_35 : vector<2048x64xf32>
    %reduce_sum3A = arith.constant dense<0.000000e+00> : vector<2048xf32>
    %reduce_sum3A_37 = vector.multi_reduction <add>, %mul3A_36, %reduce_sum3A [1] : vector<2048x64xf32> to vector<2048xf32>
    %broadcast_in_dim3A = vector.shape_cast %reduce_sum3A_37 : vector<2048xf32> to vector<2048x1xf32>
    %mul3A_38 = vector.broadcast %get3A_13 : vector<1x3xf32> to vector<2048x3xf32>
    %mul3A_39 = arith.mulf %mul3A, %mul3A_38 : vector<2048x3xf32>
    %reduce_sum3A_40 = arith.constant dense<0.000000e+00> : vector<2048xf32>
    %reduce_sum3A_41 = vector.multi_reduction <add>, %mul3A_39, %reduce_sum3A_40 [1] : vector<2048x3xf32> to vector<2048xf32>
    %broadcast_in_dim3A_42 = vector.shape_cast %reduce_sum3A_41 : vector<2048xf32> to vector<2048x1xf32>
    %slice3A_43 = vector.extract_strided_slice %get3A_1 {offsets = [0, 0], sizes = [2048, 3], strides = [1, 1]} : vector<2048x9xf32> to vector<2048x3xf32>
    %slice3A_44 = vector.extract_strided_slice %get3A_1 {offsets = [0, 6], sizes = [2048, 3], strides = [1, 1]} : vector<2048x9xf32> to vector<2048x3xf32>
    %mul3A_45 = arith.mulf %slice3A_43, %slice3A_44 : vector<2048x3xf32>
    %slice3A_46 = vector.extract_strided_slice %mul3A_45 {offsets = [0, 0], sizes = [2048, 1], strides = [1, 1]} : vector<2048x3xf32> to vector<2048x1xf32>
    %slice3A_47 = vector.extract_strided_slice %get3A_4 {offsets = [0, 0], sizes = [1, 64], strides = [1, 1]} : vector<3x64xf32> to vector<1x64xf32>
    %mul3A_48 = vector.broadcast %slice3A_46 : vector<2048x1xf32> to vector<2048x64xf32>
    %mul3A_49 = vector.broadcast %slice3A_47 : vector<1x64xf32> to vector<2048x64xf32>
    %mul3A_50 = arith.mulf %mul3A_48, %mul3A_49 : vector<2048x64xf32>
    %slice3A_51 = vector.extract_strided_slice %mul3A_45 {offsets = [0, 1], sizes = [2048, 1], strides = [1, 1]} : vector<2048x3xf32> to vector<2048x1xf32>
    %slice3A_52 = vector.extract_strided_slice %get3A_4 {offsets = [1, 0], sizes = [1, 64], strides = [1, 1]} : vector<3x64xf32> to vector<1x64xf32>
    %mul3A_53 = vector.broadcast %slice3A_51 : vector<2048x1xf32> to vector<2048x64xf32>
    %mul3A_54 = vector.broadcast %slice3A_52 : vector<1x64xf32> to vector<2048x64xf32>
    %mul3A_55 = arith.mulf %mul3A_53, %mul3A_54 : vector<2048x64xf32>
    %add3A_56 = arith.addf %mul3A_50, %mul3A_55 : vector<2048x64xf32>
    %slice3A_57 = vector.extract_strided_slice %mul3A_45 {offsets = [0, 2], sizes = [2048, 1], strides = [1, 1]} : vector<2048x3xf32> to vector<2048x1xf32>
    %slice3A_58 = vector.extract_strided_slice %get3A_4 {offsets = [2, 0], sizes = [1, 64], strides = [1, 1]} : vector<3x64xf32> to vector<1x64xf32>
    %mul3A_59 = vector.broadcast %slice3A_57 : vector<2048x1xf32> to vector<2048x64xf32>
    %mul3A_60 = vector.broadcast %slice3A_58 : vector<1x64xf32> to vector<2048x64xf32>
    %mul3A_61 = arith.mulf %mul3A_59, %mul3A_60 : vector<2048x64xf32>
    %add3A_62 = arith.addf %add3A_56, %mul3A_61 : vector<2048x64xf32>
    %add3A_63 = vector.broadcast %get3A_7 : vector<1x64xf32> to vector<2048x64xf32>
    %add3A_64 = arith.addf %add3A_62, %add3A_63 : vector<2048x64xf32>
    %max3A_65 = arith.constant 0.000000e+00 : f32
    %max3A_66 = vector.broadcast %max3A_65 : f32 to vector<2048x64xf32>
    %max3A_67 = arith.maximumf %add3A_64, %max3A_66 : vector<2048x64xf32>
    %mul3A_68 = vector.broadcast %get3A_10 : vector<1x64xf32> to vector<2048x64xf32>
    %mul3A_69 = arith.mulf %max3A_67, %mul3A_68 : vector<2048x64xf32>
    %reduce_sum3A_70 = arith.constant dense<0.000000e+00> : vector<2048xf32>
    %reduce_sum3A_71 = vector.multi_reduction <add>, %mul3A_69, %reduce_sum3A_70 [1] : vector<2048x64xf32> to vector<2048xf32>
    %broadcast_in_dim3A_72 = vector.shape_cast %reduce_sum3A_71 : vector<2048xf32> to vector<2048x1xf32>
    %mul3A_73 = vector.broadcast %get3A_13 : vector<1x3xf32> to vector<2048x3xf32>
    %mul3A_74 = arith.mulf %mul3A_45, %mul3A_73 : vector<2048x3xf32>
    %reduce_sum3A_75 = arith.constant dense<0.000000e+00> : vector<2048xf32>
    %reduce_sum3A_76 = vector.multi_reduction <add>, %mul3A_74, %reduce_sum3A_75 [1] : vector<2048x3xf32> to vector<2048xf32>
    %broadcast_in_dim3A_77 = vector.shape_cast %reduce_sum3A_76 : vector<2048xf32> to vector<2048x1xf32>
    %slice3A_78 = vector.extract_strided_slice %get3A_1 {offsets = [0, 3], sizes = [2048, 3], strides = [1, 1]} : vector<2048x9xf32> to vector<2048x3xf32>
    %slice3A_79 = vector.extract_strided_slice %get3A_1 {offsets = [0, 6], sizes = [2048, 3], strides = [1, 1]} : vector<2048x9xf32> to vector<2048x3xf32>
    %mul3A_80 = arith.mulf %slice3A_78, %slice3A_79 : vector<2048x3xf32>
    %slice3A_81 = vector.extract_strided_slice %mul3A_80 {offsets = [0, 0], sizes = [2048, 1], strides = [1, 1]} : vector<2048x3xf32> to vector<2048x1xf32>
    %slice3A_82 = vector.extract_strided_slice %get3A_4 {offsets = [0, 0], sizes = [1, 64], strides = [1, 1]} : vector<3x64xf32> to vector<1x64xf32>
    %mul3A_83 = vector.broadcast %slice3A_81 : vector<2048x1xf32> to vector<2048x64xf32>
    %mul3A_84 = vector.broadcast %slice3A_82 : vector<1x64xf32> to vector<2048x64xf32>
    %mul3A_85 = arith.mulf %mul3A_83, %mul3A_84 : vector<2048x64xf32>
    %slice3A_86 = vector.extract_strided_slice %mul3A_80 {offsets = [0, 1], sizes = [2048, 1], strides = [1, 1]} : vector<2048x3xf32> to vector<2048x1xf32>
    %slice3A_87 = vector.extract_strided_slice %get3A_4 {offsets = [1, 0], sizes = [1, 64], strides = [1, 1]} : vector<3x64xf32> to vector<1x64xf32>
    %mul3A_88 = vector.broadcast %slice3A_86 : vector<2048x1xf32> to vector<2048x64xf32>
    %mul3A_89 = vector.broadcast %slice3A_87 : vector<1x64xf32> to vector<2048x64xf32>
    %mul3A_90 = arith.mulf %mul3A_88, %mul3A_89 : vector<2048x64xf32>
    %add3A_91 = arith.addf %mul3A_85, %mul3A_90 : vector<2048x64xf32>
    %slice3A_92 = vector.extract_strided_slice %mul3A_80 {offsets = [0, 2], sizes = [2048, 1], strides = [1, 1]} : vector<2048x3xf32> to vector<2048x1xf32>
    %slice3A_93 = vector.extract_strided_slice %get3A_4 {offsets = [2, 0], sizes = [1, 64], strides = [1, 1]} : vector<3x64xf32> to vector<1x64xf32>
    %mul3A_94 = vector.broadcast %slice3A_92 : vector<2048x1xf32> to vector<2048x64xf32>
    %mul3A_95 = vector.broadcast %slice3A_93 : vector<1x64xf32> to vector<2048x64xf32>
    %mul3A_96 = arith.mulf %mul3A_94, %mul3A_95 : vector<2048x64xf32>
    %add3A_97 = arith.addf %add3A_91, %mul3A_96 : vector<2048x64xf32>
    %add3A_98 = vector.broadcast %get3A_7 : vector<1x64xf32> to vector<2048x64xf32>
    %add3A_99 = arith.addf %add3A_97, %add3A_98 : vector<2048x64xf32>
    %max3A_100 = arith.constant 0.000000e+00 : f32
    %max3A_101 = vector.broadcast %max3A_100 : f32 to vector<2048x64xf32>
    %max3A_102 = arith.maximumf %add3A_99, %max3A_101 : vector<2048x64xf32>
    %mul3A_103 = vector.broadcast %get3A_10 : vector<1x64xf32> to vector<2048x64xf32>
    %mul3A_104 = arith.mulf %max3A_102, %mul3A_103 : vector<2048x64xf32>
    %reduce_sum3A_105 = arith.constant dense<0.000000e+00> : vector<2048xf32>
    %reduce_sum3A_106 = vector.multi_reduction <add>, %mul3A_104, %reduce_sum3A_105 [1] : vector<2048x64xf32> to vector<2048xf32>
    %broadcast_in_dim3A_107 = vector.shape_cast %reduce_sum3A_106 : vector<2048xf32> to vector<2048x1xf32>
    %mul3A_108 = vector.broadcast %get3A_13 : vector<1x3xf32> to vector<2048x3xf32>
    %mul3A_109 = arith.mulf %mul3A_80, %mul3A_108 : vector<2048x3xf32>
    %reduce_sum3A_110 = arith.constant dense<0.000000e+00> : vector<2048xf32>
    %reduce_sum3A_111 = vector.multi_reduction <add>, %mul3A_109, %reduce_sum3A_110 [1] : vector<2048x3xf32> to vector<2048xf32>
    %broadcast_in_dim3A_112 = vector.shape_cast %reduce_sum3A_111 : vector<2048xf32> to vector<2048x1xf32>
    %max3A_113 = arith.maximumf %broadcast_in_dim3A, %broadcast_in_dim3A_72 : vector<2048x1xf32>
    %max3A_114 = arith.maximumf %max3A_113, %broadcast_in_dim3A_107 : vector<2048x1xf32>
    %sub3A = arith.subf %broadcast_in_dim3A, %max3A_114 : vector<2048x1xf32>
    %exp3A = math.exp %sub3A : vector<2048x1xf32>
    %sub3A_115 = arith.subf %broadcast_in_dim3A_72, %max3A_114 : vector<2048x1xf32>
    %exp3A_116 = math.exp %sub3A_115 : vector<2048x1xf32>
    %sub3A_117 = arith.subf %broadcast_in_dim3A_107, %max3A_114 : vector<2048x1xf32>
    %exp3A_118 = math.exp %sub3A_117 : vector<2048x1xf32>
    %add3A_119 = arith.addf %exp3A, %exp3A_116 : vector<2048x1xf32>
    %add3A_120 = arith.addf %add3A_119, %exp3A_118 : vector<2048x1xf32>
    %mul3A_121 = arith.mulf %exp3A, %broadcast_in_dim3A_42 : vector<2048x1xf32>
    %mul3A_122 = arith.mulf %exp3A_116, %broadcast_in_dim3A_77 : vector<2048x1xf32>
    %add3A_123 = arith.addf %mul3A_121, %mul3A_122 : vector<2048x1xf32>
    %mul3A_124 = arith.mulf %exp3A_118, %broadcast_in_dim3A_112 : vector<2048x1xf32>
    %add3A_125 = arith.addf %add3A_123, %mul3A_124 : vector<2048x1xf32>
    %div3A = arith.divf %add3A_125, %add3A_120 : vector<2048x1xf32>
    %get3A_126 = arith.constant 0 : index
    %get3A_127 = arith.constant 0 : index
    %get3A_128 = vector.load %arg6[%get3A_126, %get3A_127] : memref<1x1xf32, #tpu.memory_space<vmem>>, vector<1x1xf32>
    %get3A_129 = vector.extract %get3A_128[0, 0] : f32 from vector<1x1xf32>
    %add3A_130 = vector.broadcast %get3A_129 : f32 to vector<2048x1xf32>
    %add3A_131 = arith.addf %div3A, %add3A_130 : vector<2048x1xf32>
    %swap3A = arith.constant 0 : index
    %swap3A_132 = arith.constant 0 : index
    %swap3A_133 = vector.load %arg7[%swap3A, %swap3A_132] : memref<2048x1xf32, #tpu.memory_space<vmem>>, vector<2048x1xf32>
    tpu.vector_store %arg7[%swap3A, %swap3A_132], %add3A_131 {strides = array<i32>} : memref<2048x1xf32, #tpu.memory_space<vmem>>, vector<2048x1xf32>,
    return
  }
  func.func @transform_0(%arg0: i32) -> (i32, i32) {
    %c0_i32 = arith.constant 0 : i32
    %c0_i32_0 = arith.constant 0 : i32
    return %arg0, %c0_i32 : i32, i32
  }
  func.func @transform_1(%arg0: i32) -> (i32, i32) {
    %c0_i32 = arith.constant 0 : i32
    %c0_i32_0 = arith.constant 0 : i32
    %c0_i32_1 = arith.constant 0 : i32
    return %c0_i32, %c0_i32_0 : i32, i32
  }
  func.func @transform_2(%arg0: i32) -> (i32, i32) {
    %c0_i32 = arith.constant 0 : i32
    %c0_i32_0 = arith.constant 0 : i32
    %c0_i32_1 = arith.constant 0 : i32
    return %c0_i32, %c0_i32_0 : i32, i32
  }
  func.func @transform_3(%arg0: i32) -> (i32, i32) {
    %c0_i32 = arith.constant 0 : i32
    %c0_i32_0 = arith.constant 0 : i32
    %c0_i32_1 = arith.constant 0 : i32
    return %c0_i32, %c0_i32_0 : i32, i32
  }
  func.func @transform_4(%arg0: i32) -> (i32, i32) {
    %c0_i32 = arith.constant 0 : i32
    %c0_i32_0 = arith.constant 0 : i32
    %c0_i32_1 = arith.constant 0 : i32
    return %c0_i32, %c0_i32_0 : i32, i32
  }
  func.func @transform_5(%arg0: i32) -> (i32, i32) {
    %c0_i32 = arith.constant 0 : i32
    %c0_i32_0 = arith.constant 0 : i32
    %c0_i32_1 = arith.constant 0 : i32
    return %c0_i32, %c0_i32_0 : i32, i32
  }
  func.func @transform_6(%arg0: i32) -> (i32, i32) {
    %c0_i32 = arith.constant 0 : i32
    %c0_i32_0 = arith.constant 0 : i32
    return %arg0, %c0_i32 : i32, i32
  }
}

</mosaic_0001>

<sc_bundles>
// kernel: kernel.4.cloned.1.call-start
scs
__scs_entry_jumppad:
0x0: {  	(pc) =	sbr.rel $0x88, $3  }
0x1: {  	(tag) =	ssettag $0x0;
	lr =	simm.s32 $0x1  }
0x2: {  	[smem:$0x3F9A] =	sst lr;
	_ =	strace $0xD0000000  }
0x3: {  	_ = 	snop  }
0x4: {  	_ = 	snop  }
0x5: {  	_ = 	snop  }
0x6: {  	_ = 	snop  }
0x7: {  	_ = 	snop  }
__scs_overlays_trampoline_lowered:
0x8: {  	[smem:$0x3FA9] =	sst s0  }
0x9: {  	[smem:$0x3FAA] =	sst s1  }
0xa: {  	[smem:$0x3FAB] =	sst s2  }
0xb: {  	[smem:$0x3FAC] =	sst s3  }
0xc: {  	[smem:$0x3FAD] =	sst s4  }
0xd: {  	[smem:$0x3FAE] =	sst s5  }
0xe: {  	[smem:$0x3FAF] =	sst s6  }
0xf: {  	[smem:$0x3FB0] =	sst s7  }
0x10: {  	[smem:$0x3FB1] =	sst s8  }
0x11: {  	[smem:$0x3FB2] =	sst s9;
	s0 =	simm.s32 @!p0 $0x0  }
0x12: {  	s1 =	sld [smem:$0x3F98];
	s0 =	simm.s32 @p0 $0x1  }
0x13: {  	[smem:$0x3FB3] =	sst s0;
	s0 =	simm.s32 @!p1 $0x0  }
0x14: {  	s2 =	sld [smem:$0x3F97];
	s0 =	simm.s32 @p1 $0x1  }
0x15: {  	[smem:$0x3FB4] =	sst s0;
	s0 =	simm.s32 @!p2 $0x0  }
0x16: {  	s3 =	sld [smem:$0x3FDB];
	s0 =	simm.s32 @p2 $0x1  }
0x17: {  	s4 =	simm.s32 $0x1BF5;
	[smem:$0x3FB6] =	sst s0  }
0x18: {  	s0 =	sld [smem:$0x3F99];
	_ =	swait.ge [sflag:s4], $0x0  }
0x19: {  	s7 =	sld [smem:$0x3F9A]  }
0x1a: {  	s8 =	sadd.s32 $0xFFFFE003, lr  }
0x1b: {  	s9 =	sadd.s32 $0xFFFFFEF7, lr;
	s5 =	simm.s32 $0xFFFFFFFF;
	p2 =	slt.u32 s8, $0xFFFFF086  }
0x1c: {  	p1 =	slt.u32 s9, $0xF7A;
	s5 =	simm.s32 @!p2 $0x0  }
0x1d: {  	s5 =	simm.s32 @p1 $0x1;
	p0 =	seq.s32 s7, s2  }
0x1e: {  	s7 =	smul.u32 @!p0 $0xF7A, s2;
	p2 =	seq.s32 @!p0 s5, $0x0  }
0x1f: {  	s9 =	smul.u32 $0xF7A, s1;
	s8 =	simm.s32 @!p0 $0x1BF5;
	p2 =	por !p2, p0  }
0x20: {  	[sflag:s8] =	ssyncset.s32 @!p0 $0xFFFFF086;
	s6 =	sadd.s32 @!p0 s3, s7;
	s7 =	simm.s32 @!p0 $0x108  }
0x21: {  	s3 =	sadd.s32 s3, s9;
	s6 =	sadd.s32 @!p0 $0x88, s6;
	s7 =	simm.s32 @p2 $0x1082  }
0x22: {  	[simem:s7], [sflag:s8] =	dma.local @!p0 [hbm:s6], $0xF7A  }
0x23: {  	s9 =	sor.u32 $0xD0000000, s2;
	s6 =	simm.s32 $0x108;
	_ =	swait.ge @!p0 [sflag:s8], $0x0  }
0x24: {  	s3 =	sadd.s32 $0x88, s3;
	s6 =	simm.s32 @!p1 $0x1082;
	[sflag:s4] =	ssyncset.s32 $0xFFFFF086  }
0x25: {  	[simem:s6], [sflag:s4] =	dma.local [hbm:s3], $0xF7A  }
0x26: {  	[smem:$0x3F9A] =	sst s1;
	(tag) =	ssettag s2;
	_ =	strace s9  }
0x27: {  	s1 =	sld [smem:$0x3FAA]  }
0x28: {  	s2 =	sld [smem:$0x3FAB]  }
0x29: {  	s4 =	sld [smem:$0x3FAD]  }
0x2a: {  	p0 =	seq.s32 s5, $0x0;
	s5 =	sld [smem:$0x3FAE]  }
0x2b: {  	s6 =	sld [smem:$0x3FAF]  }
0x2c: {  	s7 =	sld [smem:$0x3FB0]  }
0x2d: {  	s3 =	simm.s32 $0x108;
	s8 =	sld [smem:$0x3FB1]  }
0x2e: {  	s3 =	simm.s32 @!p0 $0x1082;
	s9 =	sld [smem:$0x3FB2]  }
0x2f: {  	lr =	sadd.s32 s0, s3;
	s0 =	sld [smem:$0x3FA9]  }
0x30: {  	s3 =	sld [smem:$0x3FAC]  }
0x31: {  	[smem:$0x3FB5] =	sst s10  }
0x32: {  	s10 =	sld [smem:$0x3FB3];
	_ =	sdelay $0x3  }
0x33: {  	p0 =	seq.s32 s10, $0x1;
	s10 =	sld [smem:$0x3FB5];
	_ =	sdelay $0x3  }
0x34: {  	[smem:$0x3FB5] =	sst s10  }
0x35: {  	s10 =	sld [smem:$0x3FB4];
	_ =	sdelay $0x3  }
0x36: {  	p1 =	seq.s32 s10, $0x1;
	s10 =	sld [smem:$0x3FB5];
	_ =	sdelay $0x3  }
0x37: {  	[smem:$0x3FB5] =	sst s10  }
0x38: {  	s10 =	sld [smem:$0x3FB6]  }
0x39: {  	_ = 	snop;
	(pc) =	sbr.ind lr, $3  }
0x3a: {  	_ = 	snop  }
0x3b: {  	_ = 	snop  }
0x3c: {  	p2 =	seq.s32 s10, $0x1;
	s10 =	sld [smem:$0x3FB5]  }
0x3d: {  	_ =	shalt  }
0x3e: {  	_ =	shalt  }
0x3f: {  	_ =	shalt  }
0x40: {  	_ =	shalt  }
0x41: {  	_ =	shalt  }
0x42: {  	_ =	shalt  }
0x43: {  	_ =	shalt  }
0x44: {  	_ =	shalt  }
0x45: {  	_ =	shalt  }
0x46: {  	_ =	shalt  }
0x47: {  	_ =	shalt  }
0x48: {  	_ =	shalt  }
0x49: {  	_ =	shalt  }
0x4a: {  	_ =	shalt  }
0x4b: {  	_ =	shalt  }
0x4c: {  	_ =	shalt  }
0x4d: {  	_ =	shalt  }
0x4e: {  	_ =	shalt  }
0x4f: {  	_ =	shalt  }
0x50: {  	_ =	shalt  }
0x51: {  	_ =	shalt  }
0x52: {  	_ =	shalt  }
0x53: {  	_ =	shalt  }
0x54: {  	_ =	shalt  }
0x55: {  	_ =	shalt  }
0x56: {  	_ =	shalt  }
0x57: {  	_ =	shalt  }
0x58: {  	_ =	shalt  }
0x59: {  	_ =	shalt  }
0x5a: {  	_ =	shalt  }
0x5b: {  	_ =	shalt  }
0x5c: {  	_ =	shalt  }
0x5d: {  	_ =	shalt  }
0x5e: {  	_ =	shalt  }
0x5f: {  	_ =	shalt  }
0x60: {  	_ =	shalt  }
0x61: {  	_ =	shalt  }
0x62: {  	_ =	shalt  }
0x63: {  	_ =	shalt  }
0x64: {  	_ =	shalt  }
0x65: {  	_ =	shalt  }
0x66: {  	_ =	shalt  }
0x67: {  	_ =	shalt  }
0x68: {  	_ =	shalt  }
0x69: {  	_ =	shalt  }
0x6a: {  	_ =	shalt  }
0x6b: {  	_ =	shalt  }
0x6c: {  	_ =	shalt  }
0x6d: {  	_ =	shalt  }
0x6e: {  	_ =	shalt  }
0x6f: {  	_ =	shalt  }
0x70: {  	_ =	shalt  }
0x71: {  	_ =	shalt  }
0x72: {  	_ =	shalt  }
0x73: {  	_ =	shalt  }
0x74: {  	_ =	shalt  }
0x75: {  	_ =	shalt  }
0x76: {  	_ =	shalt  }
0x77: {  	_ =	shalt  }
0x78: {  	_ =	shalt  }
0x79: {  	_ =	shalt  }
0x7a: {  	_ =	shalt  }
0x7b: {  	_ =	shalt  }
0x7c: {  	_ =	shalt  }
0x7d: {  	_ =	shalt  }
0x7e: {  	_ =	shalt  }
0x7f: {  	_ =	shalt  }
0x80: {  	_ =	shalt  }
0x81: {  	_ =	shalt  }
0x82: {  	_ =	shalt  }
0x83: {  	_ =	shalt  }
0x84: {  	_ =	shalt  }
0x85: {  	_ =	shalt  }
0x86: {  	_ =	shalt  }
0x87: {  	_ =	shalt  }
.Lfunc_end0:
.L_simem_size_0:
called_computation_lowered:
.L_overlay_start_0:
0x88: {  	s2 =	sld [smem:$0x3FD9]  }
0x89: {  	s3 =	sld [smem:$0x3FFE];
	_ =	sdelay $0x1  }
0x8a: {  	s1 =	srdreg.scid  }
0x8b: {  	s0 =	sand.u32 $0x1, s1  }
0x8c: {  	s16 =	sshll.u32 s0, $0xA;
	s2 =	sadd.s32 s3, s2  }
0x8d: {  	s2 =	sadd.s32 s2, s16  }
0x8e: {  	[smem:$0x3FC1] =	sst s2  }
0x8f: {  	_ = 	snop  }
0x90: {  	(tm) =	ssettm $0x1  }
0x91: {  	s17 =	sld [smem:$0x3FFB];
	_ =	sdelay $0x3  }
0x92: {  	_ =	strace s17  }
0x93: {  	s2 =	sld [smem:$0x3FFC];
	_ =	sdelay $0x3  }
0x94: {  	_ =	strace s2  }
0x95: {  	s2 =	sld [smem:$0x3FFD];
	_ =	sdelay $0x3  }
0x96: {  	_ =	strace s2  }
0x97: {  	_ =	strace $0x8FFFFFFF  }
0x98: {  	s18 =	sld [smem:$0x3FDB];
	_ =	sdelay $0x1  }
0x99: {  	s19 =	simm.s32 $_scs_section_size  }
0x9a: {  	s4 =	simm.s32 $_size__tile_overlayer_lowered;
	s5 =	simm.s32 $_tile_overlayer_lowered  }
0x9b: {  	s22 =	simm.s32 $0x1BFF;
	s21 =	sshll.u32 s5, $0x1;
	s2 =	sadd.s32 s19, s18  }
0x9c: {  	s6 =	simm.s32 $0x0;
	s20 =	sshll.u32 s4, $0x1;
	s4 =	sadd.s32 s21, s2  }
0x9d: {  	[timem:s6], [sflag:s22] =	dma.local [hbm:s4], s20  }
0x9e: {  	_ =	swait.ge [sflag:s22], s20  }
0x9f: {  	s3 =	ssub.s32 $0x0, s20;
	[sflag:s22] =	ssyncset.done $0x0  }
0xa0: {  	[sflag:s22] =	ssyncadd.s32 s3;
	_ =	sdelay $0x1  }
0xa1: {  	s23 =	simm.s32 $0x1B8B  }
0xa2: {  	_ =	swait.ge [sflag:s23], $0x1  }
0xa3: {  	[sflag:s23] =	ssyncset.done $0x0  }
0xa4: {  	s25 =	simm.s32 $0x1B8E;
	s24 =	sld [smem:$0x3FFE];
	[sflag:s23] =	ssyncadd.s32 $0xFFFFFFFF  }
0xa5: {  	s26 =	simm.s32 $execute0_lowered;
	[smem:$0x3FD2] =	sst s25  }
0xa6: {  	s4 =	sshll.u32 s26, $0x1;
	_ =	strace $0x80000046;
	[dreg:$0x1] =	wrdreg $0xFFFFFFFF  }
0xa7: {  	s28 =	simm.s32 $_size_execute0_lowered;
	s2 =	sadd.s32 s2, s4;
	[dreg:$0x0] =	wrdreg $0x0  }
0xa8: {  	s4 =	sshll.u32 s28, $0x1;
	[dreg:$0x2] =	wrdreg s2  }
0xa9: {  	[dreg:$0x3] =	wrdreg s4  }
0xaa: {  	[dreg:$0x4] =	wrdreg $0xC0  }
0xab: {  	_ =	task [dreg:s6], $0x5FFFF  }
0xac: {  	[dreg:$0x1] =	wrdreg $0xFFFFFFFF  }
0xad: {  	[dreg:$0x0] =	wrdreg $0x60  }
0xae: {  	[dreg:$0x2] =	wrdreg s24  }
0xaf: {  	[dreg:$0x3] =	wrdreg $0x9  }
0xb0: {  	_ =	task.clear_ibuf [dreg:s6], $0x4FFFF;
	_ =	strace $0x90000046  }
0xb1: {  	s29 =	simm.s32 $0x9;
	_ =	strace $0x80000048  }
0xb2: {  	_ =	swait.ge [sflag:s29], $0x1  }
0xb3: {  	[sflag:s29] =	ssyncadd.s32 $0xFFFFFFFF  }
0xb4: {  	_ =	strace $0x90000048  }
0xb5: {  	_ =	sfence  }
0xb6: {  	s30 =	sld [smem:$0x0];
	_ =	sdelay $0x2  }
0xb7: {  	s31 =	sshll.u32 s1, $0xD;
	s1 =	sshrl.u32 s1, $0x2  }
0xb8: {  	s3 =	sand.u32 $0x4000, s31;
	s1 =	sadd.s32 s1, s30  }
0xb9: {  	s0 =	sor.u32 s3, s0;
	s1 =	sshll.u32 s1, $0x11  }
0xba: {  	s0 =	sor.u32 s1, s0  }
0xbb: {  	s0 =	sadd.s32 $0x8F2B, s0  }
0xbc: {  	[sflag:s0] =	ssyncadd.remote.s32 $0x1  }
0xbd: {  	_ =	sfence.sel $0xFFFF  }
0xbe: {  	[dreg:$0x0] =	wrdreg $0xFFFFFFFF;
	(pc) =	sbr.abs _section_cstart, $3  }
0xbf: {  	[dreg:$0x1] =	wrdreg $0xFFFFFFFF  }
0xc0: {  	_ =	task.clear_ibuf [dreg:s6], $0x2FFFF;
	_ =	strace $0x9FFFFFFF  }
0xc1: {  	(tm) =	ssettm $0x7FFFFFFF  }
tec
execute0_lowered:
.L_overlay_start_1:
0x0: {  	(tag) =	ssettag $0x1  }
0x1: {  	s1 =	srdreg.scid;
	s0 =	stileid.u32  }
0x2: {  	s6 =	sand.u32 $0x1, s1;
	s31 =	sshll.u32 s0, $0x1  }
0x3: {  	s1 =	sor.u32 s6, s31  }
0x4: {  	s5 =	rddreg [dreg:$0x0];
	s2 =	simm.s32 $0x0;
	s3 =	smul.u32 $0x240, s1  }
0x5: {  	[smem:$0x7FF] =	sst s2  }
0x6: {  	s9 =	ssub.s32 $0x2, s6;
	s1 =	rddreg [dreg:$0x1];
	s8 =	sadd.s32 s3, s5  }
0x7: {  	_ =	strace $0x80000047;
	s3 =	simm.s32 $0x2;
	s4 =	sadd.s32 $0x1C00, s8  }
0x8: {  	[tilespmem:s2], [sflag:$0x2] =	stream.linear.gather [hbm4b:s4+s2], $0x1200, $0x38;
	[tilespmem:$0x2400] =	vst v63  }
0x9: {  	s7 =	simm.s32 $0x1;
	s10 =	sshrl.u32 s9, $0x1;
	_ =	swait.ge [sflag:s3], $0x1200  }
0xa: {  	s6 =	simm.s32 $0x1200;
	s9 =	ssub.s32 s9, s10;
	[sflag:s3] =	ssyncset.done $0x0  }
0xb: {  	s5 =	sadd.s32 $0x6400, s5;
	s9 =	smax.u32 s9, $0x1;
	[sflag:s3] =	ssyncadd.s32 $0xFFFFEE00  }
0xc: {  	[tilespmem:s6], [sflag:$0x1] =	stream.indirect.gather [hbm4b:s5+s6], $0x1, s2, s6, $0xb8;
	[tilespmem:$0x2400] =	vst v63  }
0xd: {  	p0 =	sne.s32 s9, $0x1;
	_ =	swait.ge [sflag:s7], $0x1200  }
.Ltmp0:
0xe: {  	[sflag:s7] =	ssyncset.done $0x0;
	(pc) =	sbr.rel @!p0 .LBB2_2-.Ltmp0, $4  }
0xf: {  	s8 =	sadd.s32 $0x61E00, s8;
	[sflag:s7] =	ssyncadd.s32 $0xFFFFEE00  }
0x10: {  	[hbm4b:s8+s2] =	stream.linear.scatter [tilespmem:s6], [sflag:$0x2], $0x1200, $0x38;
	[tilespmem:$0x2400] =	vst v63  }
0x11: {  	_ =	swait.ge [sflag:s3], $0x1200  }
0x12: {  	s9 =	sadd.s32 $0xFFFFFFFF, s9;
	[sflag:s3] =	ssyncset.done $0x0  }
.LBB2_1:
0x13: {  	p0 =	sne.s32 s9, $0x1;
	s9 =	sadd.s32 $0xFFFFFFFF, s9;
	[sflag:s3] =	ssyncadd.s32 $0xFFFFEE00  }
0x14: {  	[tilespmem:s2], [sflag:$0x2] =	stream.linear.gather [hbm4b:s4+s2], $0x1200, $0x38;
	[tilespmem:$0x2400] =	vst v63  }
0x15: {  	_ =	swait.ge [sflag:s3], $0x1200  }
0x16: {  	[sflag:s3] =	ssyncset.done $0x0  }
0x17: {  	[sflag:s3] =	ssyncadd.s32 $0xFFFFEE00  }
0x18: {  	[tilespmem:s6], [sflag:$0x1] =	stream.indirect.gather [hbm4b:s5+s6], $0x1, s2, s6, $0xb8;
	[tilespmem:$0x2400] =	vst v63  }
0x19: {  	_ =	swait.ge [sflag:s7], $0x1200  }
.Ltmp1:
0x1a: {  	[sflag:s7] =	ssyncset.done $0x0;
	(pc) =	sbr.rel @p0 .LBB2_1-.Ltmp1, $4  }
0x1b: {  	[sflag:s7] =	ssyncadd.s32 $0xFFFFEE00  }
0x1c: {  	[hbm4b:s8+s2] =	stream.linear.scatter [tilespmem:s6], [sflag:$0x2], $0x1200, $0x38;
	[tilespmem:$0x2400] =	vst v63  }
0x1d: {  	_ =	swait.ge [sflag:s3], $0x1200  }
0x1e: {  	[sflag:s3] =	ssyncset.done $0x0  }
.LBB2_2:
0x1f: {  	[sflag:s3] =	ssyncadd.s32 $0xFFFFEE00  }
0x20: {  	_ =	sfence.sel $0x180000  }
0x21: {  	[bflag:$0x0] =	sbarrier.arrive $0xFFFF  }
0x22: {  	p0 =	sne.s32 s0, $0x0;
	_ =	strace $0x90000047  }
0x23: {  	s0 =	sadd.s32 @!p0 $0x100000, s1;
	[bflag:$0x2] =	sbarrier.arrive $0xFFFF  }
0x24: {  	[sflag:s0] =	ssyncadd.tile.s32 @!p0 $0x1;
	_ =	shalt  }
.Lfunc_end2:
_tile_overlayer_lowered:
.L_overlay_start_2:
0x25: {  	(tag) =	ssettag $0x2  }
0x26: {  	s0 =	rddreg [dreg:$0x0];
	s2 =	stileid.u32  }
0x27: {  	s1 =	rddreg [dreg:$0x1];
	p0 =	sne.s32 s2, $0x0  }
0x28: {  	s3 =	rddreg [dreg:$0x2];
	[bflag:$0x3] =	sbarrier.arrive $0xFFFF;
	s2 =	simm.s32 @!p0 $0x1C02  }
0x29: {  	[timem:s3], [sflag:s2] =	dma.local @!p0 [hbm:s0], s1  }
0x2a: {  	s0 =	simm.s32 @!p0 $0x2  }
0x2b: {  	_ =	swait.ge @!p0 [sflag:s0], s1  }
0x2c: {  	s1 =	ssub.s32 @!p0 $0x0, s1;
	[sflag:s0] =	ssyncset.done @!p0 $0x0  }
0x2d: {  	[sflag:s0] =	ssyncadd.s32 @!p0 s1  }
0x2e: {  	[bflag:$0x3] =	sbarrier.arrive $0xFFFF  }
0x2f: {  	_ =	shalt  }

</sc_bundles>
